<compile_context>
chip_gen: v7x
topology: tpu7x:2x2x1
jax: 0.10.2.dev20260603
libtpu: 0.0.44.dev20260713+nightly
codegen_flags: <defaults>
</compile_context>

<pallas_src>
import jax
import jax.numpy as jnp
from jax.experimental import pallas as pl

B, NQ, NK = 1, 2048, 1024
D_MSG, D_FF, D_OUT = 16, 32, 16
TQ, TK = 256, 256
G = 8


def _pair_body(q_ref, kw_ref, wbd_ref, b2_ref, o_ref):
    h = jax.lax.dot_general(
        q_ref[...], kw_ref[...], (((1,), (0,)), ((), ())),
        preferred_element_type=jnp.float32)
    s = h * (0.5 * jnp.tanh(h * 0.5) + 0.5)
    sb = s.astype(jnp.bfloat16)
    bias = b2_ref[0:1, :]
    for g in range(TK // G):
        blk = jax.lax.dot_general(
            sb[:, g * (G * D_FF):(g + 1) * (G * D_FF)], wbd_ref[...],
            (((1,), (0,)), ((), ())), preferred_element_type=jnp.float32)
        o_ref[:, g * (G * D_OUT):(g + 1) * (G * D_OUT)] = blk + bias


def kernel(q_equi, q_inv, k_equi, k_inv, Wq, bq, Wk, bk, W1, b1, W2, b2):
    f32 = jnp.float32
    qf = q_equi.reshape(NQ, 24)
    kf = k_equi.reshape(NK, 24)
    qm = q_inv.reshape(NQ, -1) @ Wq + bq
    km = k_inv.reshape(NK, -1) @ Wk + bk
    W1q, W1k, W1d = W1[:16], W1[16:32], W1[32:40]
    bkrow = (km @ W1k + b1).reshape(1, NK * D_FF)

    w1e = jnp.tile(W1d, (3, 1))
    kew_dot = (kf.T[:, :, None] * w1e[:, None, :]).reshape(24, NK * D_FF)
    kew_q = jnp.tile(W1q, (1, NK))
    kew = jnp.concatenate([kew_dot, kew_q, bkrow,
                           jnp.zeros((64 - 41, NK * D_FF), f32)], axis=0)

    qext = jnp.concatenate(
        [qf, qm, jnp.ones((NQ, 1), f32), jnp.zeros((NQ, 64 - 41), f32)],
        axis=1)

    wbd = jnp.zeros((G * D_FF, G * D_OUT), f32)
    for i in range(G):
        wbd = wbd.at[i * D_FF:(i + 1) * D_FF,
                     i * D_OUT:(i + 1) * D_OUT].set(W2)
    b2t = jnp.broadcast_to(jnp.tile(b2, (G,)), (8, G * D_OUT))

    qext = qext.astype(jnp.bfloat16)
    kew = kew.astype(jnp.bfloat16)
    wbd = wbd.astype(jnp.bfloat16)

    out_flat = pl.pallas_call(
        _pair_body,
        grid=(NQ // TQ, NK // TK),
        in_specs=[
            pl.BlockSpec((TQ, 64), lambda iq, ik: (iq, 0)),
            pl.BlockSpec((64, TK * D_FF), lambda iq, ik: (0, ik)),
            pl.BlockSpec((G * D_FF, G * D_OUT), lambda iq, ik: (0, 0)),
            pl.BlockSpec((8, G * D_OUT), lambda iq, ik: (0, 0)),
        ],
        out_specs=pl.BlockSpec((TQ, TK * D_OUT), lambda iq, ik: (iq, ik)),
        out_shape=jax.ShapeDtypeStruct((NQ, NK * D_OUT), f32),
    )(qext, kew, wbd, b2t)

    return out_flat.reshape(B, NQ, NK, D_OUT)

# --- scband reference (transcript-rebuilt; emitter-appended) ---
"""Pipeline reference for scband-pairwise-messages-73607149519580 (READ-ONLY COPY).

The authoritative reference and input builder live on the scoring server;
editing this copy changes nothing except your own understanding.
"""

import jax, jax.numpy as jnp
import numpy as np

B, NQ, NK = 1, 2048, 1024
D_EQUI, D_QINV, D_KVINV = 8, 64, 64
D_MSG, D_FF, D_OUT = 16, 32, 16
IN_FEATS = D_MSG * 2 + D_EQUI


def setup_inputs(seed: int = 0) -> dict:
    key = jax.random.key(seed)
    ks = jax.random.split(key, 8)
    s = 0.05
    return {
        "q_equi": jax.random.normal(ks[0], (B, NQ, 3, D_EQUI), dtype=jnp.float32),
        "q_inv": jax.random.normal(ks[1], (B, NQ, D_QINV), dtype=jnp.float32),
        "k_equi": jax.random.normal(ks[2], (B, NK, 3, D_EQUI), dtype=jnp.float32),
        "k_inv": jax.random.normal(ks[3], (B, NK, D_KVINV), dtype=jnp.float32),
        "Wq": jax.random.normal(ks[4], (D_QINV, D_MSG), dtype=jnp.float32) * s,
        "bq": jnp.zeros((D_MSG,), dtype=jnp.float32),
        "Wk": jax.random.normal(ks[5], (D_KVINV, D_MSG), dtype=jnp.float32) * s,
        "bk": jnp.zeros((D_MSG,), dtype=jnp.float32),
        "W1": jax.random.normal(ks[6], (IN_FEATS, D_FF), dtype=jnp.float32) * s,
        "b1": jnp.zeros((D_FF,), dtype=jnp.float32),
        "W2": jax.random.normal(ks[7], (D_FF, D_OUT), dtype=jnp.float32) * s,
        "b2": jnp.zeros((D_OUT,), dtype=jnp.float32),
    }


def reference(q_equi, q_inv, k_equi, k_inv, Wq, bq, Wk, bk, W1, b1, W2, b2):
    # dotprods over the 3D coordinate axis for each equi channel:
    # torch: bmm over [B*d_equi, N_q, 3] x [B*d_equi, 3, N_kv] -> [B, N_q, N_kv, d_equi]
    dotprods = jnp.einsum('bqcd,bkcd->bqkd', q_equi, k_equi)
    q_messages = q_inv @ Wq + bq  # [B, N_q, d_msg]
    k_messages = k_inv @ Wk + bk  # [B, N_kv, d_msg]
    qm = jnp.broadcast_to(q_messages[:, :, None, :], (B, NQ, NK, D_MSG))
    km = jnp.broadcast_to(k_messages[:, None, :, :], (B, NQ, NK, D_MSG))
    pairwise_feats = jnp.concatenate([qm, km, dotprods], axis=-1)  # [B, N_q, N_kv, in_feats]
    h = pairwise_feats @ W1 + b1
    h = h * jax.nn.sigmoid(h)  # SiLU
    out = h @ W2 + b2  # [B, N_q, N_kv, d_out]
    return out

if __name__ == "__main__":
    import jax
    _d = setup_inputs()
    print(jax.jit(kernel)(*tuple(_d.values())))

</pallas_src>

<mosaic_0001>
module attributes {stable_mosaic.version = 14 : i64} {
  func.func @_pair_body(%arg0: i32, %arg1: i32, %arg2: memref<256x64xbf16, #tpu.memory_space<vmem>>, %arg3: memref<64x8192xbf16, #tpu.memory_space<vmem>>, %arg4: memref<256x128xbf16, #tpu.memory_space<vmem>>, %arg5: memref<8x128xf32, #tpu.memory_space<vmem>>, %arg6: memref<256x4096xf32, #tpu.memory_space<vmem>>) attributes {dimension_semantics = [#tpu.dimension_semantics<arbitrary>, #tpu.dimension_semantics<arbitrary>], iteration_bounds = array<i64: 8, 4>, scalar_prefetch = 0 : i64, scratch_operands = 0 : i64, tpu.core_type = #tpu.core_type<tc>, window_params = [{transform_indices = @transform_0, window_bounds = array<i64: 256, 64>}, {transform_indices = @transform_1, window_bounds = array<i64: 64, 8192>}, {pipeline_mode = #tpu.pipeline_mode<synchronous>, transform_indices = @transform_2, window_bounds = array<i64: 256, 128>}, {pipeline_mode = #tpu.pipeline_mode<synchronous>, transform_indices = @transform_3, window_bounds = array<i64: 8, 128>}, {transform_indices = @transform_4, window_bounds = array<i64: 256, 4096>}]} {
    %get3A = arith.constant 0 : index
    %get3A_0 = arith.constant 0 : index
    %get3A_1 = vector.load %arg2[%get3A, %get3A_0] : memref<256x64xbf16, #tpu.memory_space<vmem>>, vector<256x64xbf16>
    %get3A_2 = arith.constant 0 : index
    %get3A_3 = arith.constant 0 : index
    %get3A_4 = vector.load %arg3[%get3A_2, %get3A_3] : memref<64x8192xbf16, #tpu.memory_space<vmem>>, vector<64x8192xbf16>
    %dot_general3A = arith.constant dense<0.000000e+00> : vector<256x8192xf32>
    %dot_general3A_5 = tpu.matmul %get3A_1, %get3A_4, %dot_general3A {dimension_numbers = #tpu.dot_dimension_numbers<[1], [0], [0], [1], [0, 0, 1, 1], [], []>, transpose_lhs_hint = false} : vector<256x64xbf16>, vector<64x8192xbf16>, vector<256x8192xf32> -> vector<256x8192xf32>
    %mul3A = arith.constant 5.000000e-01 : f32
    %mul3A_6 = vector.broadcast %mul3A : f32 to vector<256x8192xf32>
    %mul3A_7 = arith.mulf %dot_general3A_5, %mul3A_6 : vector<256x8192xf32>
    %tanh3A = math.tanh %mul3A_7 : vector<256x8192xf32>
    %mul3A_8 = arith.constant 5.000000e-01 : f32
    %mul3A_9 = vector.broadcast %mul3A_8 : f32 to vector<256x8192xf32>
    %mul3A_10 = arith.mulf %mul3A_9, %tanh3A : vector<256x8192xf32>
    %add3A = arith.constant 5.000000e-01 : f32
    %add3A_11 = vector.broadcast %add3A : f32 to vector<256x8192xf32>
    %add3A_12 = arith.addf %mul3A_10, %add3A_11 : vector<256x8192xf32>
    %mul3A_13 = arith.mulf %dot_general3A_5, %add3A_12 : vector<256x8192xf32>
    %convert_element_type3A = arith.truncf %mul3A_13 : vector<256x8192xf32> to vector<256x8192xbf16>
    %get3A_14 = arith.constant 0 : index
    %get3A_15 = arith.constant 0 : index
    %get3A_16 = vector.load %arg5[%get3A_14, %get3A_15] : memref<8x128xf32, #tpu.memory_space<vmem>>, vector<1x128xf32>
    %slice3A = vector.extract_strided_slice %convert_element_type3A {offsets = [0, 0], sizes = [256, 256], strides = [1, 1]} : vector<256x8192xbf16> to vector<256x256xbf16>
    %get3A_17 = arith.constant 0 : index
    %get3A_18 = arith.constant 0 : index
    %get3A_19 = vector.load %arg4[%get3A_17, %get3A_18] : memref<256x128xbf16, #tpu.memory_space<vmem>>, vector<256x128xbf16>
    %dot_general3A_20 = arith.constant dense<0.000000e+00> : vector<256x128xf32>
    %dot_general3A_21 = tpu.matmul %slice3A, %get3A_19, %dot_general3A_20 {dimension_numbers = #tpu.dot_dimension_numbers<[1], [0], [0], [1], [0, 0, 1, 1], [], []>, transpose_lhs_hint = false} : vector<256x256xbf16>, vector<256x128xbf16>, vector<256x128xf32> -> vector<256x128xf32>
    %add3A_22 = vector.broadcast %get3A_16 : vector<1x128xf32> to vector<256x128xf32>
    %add3A_23 = arith.addf %dot_general3A_21, %add3A_22 : vector<256x128xf32>
    %swap3A = arith.constant 0 : index
    %swap3A_24 = arith.constant 0 : index
    %swap3A_25 = vector.load %arg6[%swap3A, %swap3A_24] : memref<256x4096xf32, #tpu.memory_space<vmem>>, vector<256x128xf32>
    tpu.vector_store %arg6[%swap3A, %swap3A_24], %add3A_23 {strides = array<i32>} : memref<256x4096xf32, #tpu.memory_space<vmem>>, vector<256x128xf32>,
    %slice3A_26 = vector.extract_strided_slice %convert_element_type3A {offsets = [0, 256], sizes = [256, 256], strides = [1, 1]} : vector<256x8192xbf16> to vector<256x256xbf16>
    %get3A_27 = arith.constant 0 : index
    %get3A_28 = arith.constant 0 : index
    %get3A_29 = vector.load %arg4[%get3A_27, %get3A_28] : memref<256x128xbf16, #tpu.memory_space<vmem>>, vector<256x128xbf16>
    %dot_general3A_30 = arith.constant dense<0.000000e+00> : vector<256x128xf32>
    %dot_general3A_31 = tpu.matmul %slice3A_26, %get3A_29, %dot_general3A_30 {dimension_numbers = #tpu.dot_dimension_numbers<[1], [0], [0], [1], [0, 0, 1, 1], [], []>, transpose_lhs_hint = false} : vector<256x256xbf16>, vector<256x128xbf16>, vector<256x128xf32> -> vector<256x128xf32>
    %add3A_32 = vector.broadcast %get3A_16 : vector<1x128xf32> to vector<256x128xf32>
    %add3A_33 = arith.addf %dot_general3A_31, %add3A_32 : vector<256x128xf32>
    %swap3A_34 = arith.constant 0 : index
    %swap3A_35 = arith.constant 128 : index
    %swap3A_36 = vector.load %arg6[%swap3A_34, %swap3A_35] : memref<256x4096xf32, #tpu.memory_space<vmem>>, vector<256x128xf32>
    tpu.vector_store %arg6[%swap3A_34, %swap3A_35], %add3A_33 {strides = array<i32>} : memref<256x4096xf32, #tpu.memory_space<vmem>>, vector<256x128xf32>,
    %slice3A_37 = vector.extract_strided_slice %convert_element_type3A {offsets = [0, 512], sizes = [256, 256], strides = [1, 1]} : vector<256x8192xbf16> to vector<256x256xbf16>
    %get3A_38 = arith.constant 0 : index
    %get3A_39 = arith.constant 0 : index
    %get3A_40 = vector.load %arg4[%get3A_38, %get3A_39] : memref<256x128xbf16, #tpu.memory_space<vmem>>, vector<256x128xbf16>
    %dot_general3A_41 = arith.constant dense<0.000000e+00> : vector<256x128xf32>
    %dot_general3A_42 = tpu.matmul %slice3A_37, %get3A_40, %dot_general3A_41 {dimension_numbers = #tpu.dot_dimension_numbers<[1], [0], [0], [1], [0, 0, 1, 1], [], []>, transpose_lhs_hint = false} : vector<256x256xbf16>, vector<256x128xbf16>, vector<256x128xf32> -> vector<256x128xf32>
    %add3A_43 = vector.broadcast %get3A_16 : vector<1x128xf32> to vector<256x128xf32>
    %add3A_44 = arith.addf %dot_general3A_42, %add3A_43 : vector<256x128xf32>
    %swap3A_45 = arith.constant 0 : index
    %swap3A_46 = arith.constant 256 : index
    %swap3A_47 = vector.load %arg6[%swap3A_45, %swap3A_46] : memref<256x4096xf32, #tpu.memory_space<vmem>>, vector<256x128xf32>
    tpu.vector_store %arg6[%swap3A_45, %swap3A_46], %add3A_44 {strides = array<i32>} : memref<256x4096xf32, #tpu.memory_space<vmem>>, vector<256x128xf32>,
    %slice3A_48 = vector.extract_strided_slice %convert_element_type3A {offsets = [0, 768], sizes = [256, 256], strides = [1, 1]} : vector<256x8192xbf16> to vector<256x256xbf16>
    %get3A_49 = arith.constant 0 : index
    %get3A_50 = arith.constant 0 : index
    %get3A_51 = vector.load %arg4[%get3A_49, %get3A_50] : memref<256x128xbf16, #tpu.memory_space<vmem>>, vector<256x128xbf16>
    %dot_general3A_52 = arith.constant dense<0.000000e+00> : vector<256x128xf32>
    %dot_general3A_53 = tpu.matmul %slice3A_48, %get3A_51, %dot_general3A_52 {dimension_numbers = #tpu.dot_dimension_numbers<[1], [0], [0], [1], [0, 0, 1, 1], [], []>, transpose_lhs_hint = false} : vector<256x256xbf16>, vector<256x128xbf16>, vector<256x128xf32> -> vector<256x128xf32>
    %add3A_54 = vector.broadcast %get3A_16 : vector<1x128xf32> to vector<256x128xf32>
    %add3A_55 = arith.addf %dot_general3A_53, %add3A_54 : vector<256x128xf32>
    %swap3A_56 = arith.constant 0 : index
    %swap3A_57 = arith.constant 384 : index
    %swap3A_58 = vector.load %arg6[%swap3A_56, %swap3A_57] : memref<256x4096xf32, #tpu.memory_space<vmem>>, vector<256x128xf32>
    tpu.vector_store %arg6[%swap3A_56, %swap3A_57], %add3A_55 {strides = array<i32>} : memref<256x4096xf32, #tpu.memory_space<vmem>>, vector<256x128xf32>,
    %slice3A_59 = vector.extract_strided_slice %convert_element_type3A {offsets = [0, 1024], sizes = [256, 256], strides = [1, 1]} : vector<256x8192xbf16> to vector<256x256xbf16>
    %get3A_60 = arith.constant 0 : index
    %get3A_61 = arith.constant 0 : index
    %get3A_62 = vector.load %arg4[%get3A_60, %get3A_61] : memref<256x128xbf16, #tpu.memory_space<vmem>>, vector<256x128xbf16>
    %dot_general3A_63 = arith.constant dense<0.000000e+00> : vector<256x128xf32>
    %dot_general3A_64 = tpu.matmul %slice3A_59, %get3A_62, %dot_general3A_63 {dimension_numbers = #tpu.dot_dimension_numbers<[1], [0], [0], [1], [0, 0, 1, 1], [], []>, transpose_lhs_hint = false} : vector<256x256xbf16>, vector<256x128xbf16>, vector<256x128xf32> -> vector<256x128xf32>
    %add3A_65 = vector.broadcast %get3A_16 : vector<1x128xf32> to vector<256x128xf32>
    %add3A_66 = arith.addf %dot_general3A_64, %add3A_65 : vector<256x128xf32>
    %swap3A_67 = arith.constant 0 : index
    %swap3A_68 = arith.constant 512 : index
    %swap3A_69 = vector.load %arg6[%swap3A_67, %swap3A_68] : memref<256x4096xf32, #tpu.memory_space<vmem>>, vector<256x128xf32>
    tpu.vector_store %arg6[%swap3A_67, %swap3A_68], %add3A_66 {strides = array<i32>} : memref<256x4096xf32, #tpu.memory_space<vmem>>, vector<256x128xf32>,
    %slice3A_70 = vector.extract_strided_slice %convert_element_type3A {offsets = [0, 1280], sizes = [256, 256], strides = [1, 1]} : vector<256x8192xbf16> to vector<256x256xbf16>
    %get3A_71 = arith.constant 0 : index
    %get3A_72 = arith.constant 0 : index
    %get3A_73 = vector.load %arg4[%get3A_71, %get3A_72] : memref<256x128xbf16, #tpu.memory_space<vmem>>, vector<256x128xbf16>
    %dot_general3A_74 = arith.constant dense<0.000000e+00> : vector<256x128xf32>
    %dot_general3A_75 = tpu.matmul %slice3A_70, %get3A_73, %dot_general3A_74 {dimension_numbers = #tpu.dot_dimension_numbers<[1], [0], [0], [1], [0, 0, 1, 1], [], []>, transpose_lhs_hint = false} : vector<256x256xbf16>, vector<256x128xbf16>, vector<256x128xf32> -> vector<256x128xf32>
    %add3A_76 = vector.broadcast %get3A_16 : vector<1x128xf32> to vector<256x128xf32>
    %add3A_77 = arith.addf %dot_general3A_75, %add3A_76 : vector<256x128xf32>
    %swap3A_78 = arith.constant 0 : index
    %swap3A_79 = arith.constant 640 : index
    %swap3A_80 = vector.load %arg6[%swap3A_78, %swap3A_79] : memref<256x4096xf32, #tpu.memory_space<vmem>>, vector<256x128xf32>
    tpu.vector_store %arg6[%swap3A_78, %swap3A_79], %add3A_77 {strides = array<i32>} : memref<256x4096xf32, #tpu.memory_space<vmem>>, vector<256x128xf32>,
    %slice3A_81 = vector.extract_strided_slice %convert_element_type3A {offsets = [0, 1536], sizes = [256, 256], strides = [1, 1]} : vector<256x8192xbf16> to vector<256x256xbf16>
    %get3A_82 = arith.constant 0 : index
    %get3A_83 = arith.constant 0 : index
    %get3A_84 = vector.load %arg4[%get3A_82, %get3A_83] : memref<256x128xbf16, #tpu.memory_space<vmem>>, vector<256x128xbf16>
    %dot_general3A_85 = arith.constant dense<0.000000e+00> : vector<256x128xf32>
    %dot_general3A_86 = tpu.matmul %slice3A_81, %get3A_84, %dot_general3A_85 {dimension_numbers = #tpu.dot_dimension_numbers<[1], [0], [0], [1], [0, 0, 1, 1], [], []>, transpose_lhs_hint = false} : vector<256x256xbf16>, vector<256x128xbf16>, vector<256x128xf32> -> vector<256x128xf32>
    %add3A_87 = vector.broadcast %get3A_16 : vector<1x128xf32> to vector<256x128xf32>
    %add3A_88 = arith.addf %dot_general3A_86, %add3A_87 : vector<256x128xf32>
    %swap3A_89 = arith.constant 0 : index
    %swap3A_90 = arith.constant 768 : index
    %swap3A_91 = vector.load %arg6[%swap3A_89, %swap3A_90] : memref<256x4096xf32, #tpu.memory_space<vmem>>, vector<256x128xf32>
    tpu.vector_store %arg6[%swap3A_89, %swap3A_90], %add3A_88 {strides = array<i32>} : memref<256x4096xf32, #tpu.memory_space<vmem>>, vector<256x128xf32>,
    %slice3A_92 = vector.extract_strided_slice %convert_element_type3A {offsets = [0, 1792], sizes = [256, 256], strides = [1, 1]} : vector<256x8192xbf16> to vector<256x256xbf16>
    %get3A_93 = arith.constant 0 : index
    %get3A_94 = arith.constant 0 : index
    %get3A_95 = vector.load %arg4[%get3A_93, %get3A_94] : memref<256x128xbf16, #tpu.memory_space<vmem>>, vector<256x128xbf16>
    %dot_general3A_96 = arith.constant dense<0.000000e+00> : vector<256x128xf32>
    %dot_general3A_97 = tpu.matmul %slice3A_92, %get3A_95, %dot_general3A_96 {dimension_numbers = #tpu.dot_dimension_numbers<[1], [0], [0], [1], [0, 0, 1, 1], [], []>, transpose_lhs_hint = false} : vector<256x256xbf16>, vector<256x128xbf16>, vector<256x128xf32> -> vector<256x128xf32>
    %add3A_98 = vector.broadcast %get3A_16 : vector<1x128xf32> to vector<256x128xf32>
    %add3A_99 = arith.addf %dot_general3A_97, %add3A_98 : vector<256x128xf32>
    %swap3A_100 = arith.constant 0 : index
    %swap3A_101 = arith.constant 896 : index
    %swap3A_102 = vector.load %arg6[%swap3A_100, %swap3A_101] : memref<256x4096xf32, #tpu.memory_space<vmem>>, vector<256x128xf32>
    tpu.vector_store %arg6[%swap3A_100, %swap3A_101], %add3A_99 {strides = array<i32>} : memref<256x4096xf32, #tpu.memory_space<vmem>>, vector<256x128xf32>,
    %slice3A_103 = vector.extract_strided_slice %convert_element_type3A {offsets = [0, 2048], sizes = [256, 256], strides = [1, 1]} : vector<256x8192xbf16> to vector<256x256xbf16>
    %get3A_104 = arith.constant 0 : index
    %get3A_105 = arith.constant 0 : index
    %get3A_106 = vector.load %arg4[%get3A_104, %get3A_105] : memref<256x128xbf16, #tpu.memory_space<vmem>>, vector<256x128xbf16>
    %dot_general3A_107 = arith.constant dense<0.000000e+00> : vector<256x128xf32>
    %dot_general3A_108 = tpu.matmul %slice3A_103, %get3A_106, %dot_general3A_107 {dimension_numbers = #tpu.dot_dimension_numbers<[1], [0], [0], [1], [0, 0, 1, 1], [], []>, transpose_lhs_hint = false} : vector<256x256xbf16>, vector<256x128xbf16>, vector<256x128xf32> -> vector<256x128xf32>
    %add3A_109 = vector.broadcast %get3A_16 : vector<1x128xf32> to vector<256x128xf32>
    %add3A_110 = arith.addf %dot_general3A_108, %add3A_109 : vector<256x128xf32>
    %swap3A_111 = arith.constant 0 : index
    %swap3A_112 = arith.constant 1024 : index
    %swap3A_113 = vector.load %arg6[%swap3A_111, %swap3A_112] : memref<256x4096xf32, #tpu.memory_space<vmem>>, vector<256x128xf32>
    tpu.vector_store %arg6[%swap3A_111, %swap3A_112], %add3A_110 {strides = array<i32>} : memref<256x4096xf32, #tpu.memory_space<vmem>>, vector<256x128xf32>,
    %slice3A_114 = vector.extract_strided_slice %convert_element_type3A {offsets = [0, 2304], sizes = [256, 256], strides = [1, 1]} : vector<256x8192xbf16> to vector<256x256xbf16>
    %get3A_115 = arith.constant 0 : index
    %get3A_116 = arith.constant 0 : index
    %get3A_117 = vector.load %arg4[%get3A_115, %get3A_116] : memref<256x128xbf16, #tpu.memory_space<vmem>>, vector<256x128xbf16>
    %dot_general3A_118 = arith.constant dense<0.000000e+00> : vector<256x128xf32>
    %dot_general3A_119 = tpu.matmul %slice3A_114, %get3A_117, %dot_general3A_118 {dimension_numbers = #tpu.dot_dimension_numbers<[1], [0], [0], [1], [0, 0, 1, 1], [], []>, transpose_lhs_hint = false} : vector<256x256xbf16>, vector<256x128xbf16>, vector<256x128xf32> -> vector<256x128xf32>
    %add3A_120 = vector.broadcast %get3A_16 : vector<1x128xf32> to vector<256x128xf32>
    %add3A_121 = arith.addf %dot_general3A_119, %add3A_120 : vector<256x128xf32>
    %swap3A_122 = arith.constant 0 : index
    %swap3A_123 = arith.constant 1152 : index
    %swap3A_124 = vector.load %arg6[%swap3A_122, %swap3A_123] : memref<256x4096xf32, #tpu.memory_space<vmem>>, vector<256x128xf32>
    tpu.vector_store %arg6[%swap3A_122, %swap3A_123], %add3A_121 {strides = array<i32>} : memref<256x4096xf32, #tpu.memory_space<vmem>>, vector<256x128xf32>,
    %slice3A_125 = vector.extract_strided_slice %convert_element_type3A {offsets = [0, 2560], sizes = [256, 256], strides = [1, 1]} : vector<256x8192xbf16> to vector<256x256xbf16>
    %get3A_126 = arith.constant 0 : index
    %get3A_127 = arith.constant 0 : index
    %get3A_128 = vector.load %arg4[%get3A_126, %get3A_127] : memref<256x128xbf16, #tpu.memory_space<vmem>>, vector<256x128xbf16>
    %dot_general3A_129 = arith.constant dense<0.000000e+00> : vector<256x128xf32>
    %dot_general3A_130 = tpu.matmul %slice3A_125, %get3A_128, %dot_general3A_129 {dimension_numbers = #tpu.dot_dimension_numbers<[1], [0], [0], [1], [0, 0, 1, 1], [], []>, transpose_lhs_hint = false} : vector<256x256xbf16>, vector<256x128xbf16>, vector<256x128xf32> -> vector<256x128xf32>
    %add3A_131 = vector.broadcast %get3A_16 : vector<1x128xf32> to vector<256x128xf32>
    %add3A_132 = arith.addf %dot_general3A_130, %add3A_131 : vector<256x128xf32>
    %swap3A_133 = arith.constant 0 : index
    %swap3A_134 = arith.constant 1280 : index
    %swap3A_135 = vector.load %arg6[%swap3A_133, %swap3A_134] : memref<256x4096xf32, #tpu.memory_space<vmem>>, vector<256x128xf32>
    tpu.vector_store %arg6[%swap3A_133, %swap3A_134], %add3A_132 {strides = array<i32>} : memref<256x4096xf32, #tpu.memory_space<vmem>>, vector<256x128xf32>,
    %slice3A_136 = vector.extract_strided_slice %convert_element_type3A {offsets = [0, 2816], sizes = [256, 256], strides = [1, 1]} : vector<256x8192xbf16> to vector<256x256xbf16>
    %get3A_137 = arith.constant 0 : index
    %get3A_138 = arith.constant 0 : index
    %get3A_139 = vector.load %arg4[%get3A_137, %get3A_138] : memref<256x128xbf16, #tpu.memory_space<vmem>>, vector<256x128xbf16>
    %dot_general3A_140 = arith.constant dense<0.000000e+00> : vector<256x128xf32>
    %dot_general3A_141 = tpu.matmul %slice3A_136, %get3A_139, %dot_general3A_140 {dimension_numbers = #tpu.dot_dimension_numbers<[1], [0], [0], [1], [0, 0, 1, 1], [], []>, transpose_lhs_hint = false} : vector<256x256xbf16>, vector<256x128xbf16>, vector<256x128xf32> -> vector<256x128xf32>
    %add3A_142 = vector.broadcast %get3A_16 : vector<1x128xf32> to vector<256x128xf32>
    %add3A_143 = arith.addf %dot_general3A_141, %add3A_142 : vector<256x128xf32>
    %swap3A_144 = arith.constant 0 : index
    %swap3A_145 = arith.constant 1408 : index
    %swap3A_146 = vector.load %arg6[%swap3A_144, %swap3A_145] : memref<256x4096xf32, #tpu.memory_space<vmem>>, vector<256x128xf32>
    tpu.vector_store %arg6[%swap3A_144, %swap3A_145], %add3A_143 {strides = array<i32>} : memref<256x4096xf32, #tpu.memory_space<vmem>>, vector<256x128xf32>,
    %slice3A_147 = vector.extract_strided_slice %convert_element_type3A {offsets = [0, 3072], sizes = [256, 256], strides = [1, 1]} : vector<256x8192xbf16> to vector<256x256xbf16>
    %get3A_148 = arith.constant 0 : index
    %get3A_149 = arith.constant 0 : index
    %get3A_150 = vector.load %arg4[%get3A_148, %get3A_149] : memref<256x128xbf16, #tpu.memory_space<vmem>>, vector<256x128xbf16>
    %dot_general3A_151 = arith.constant dense<0.000000e+00> : vector<256x128xf32>
    %dot_general3A_152 = tpu.matmul %slice3A_147, %get3A_150, %dot_general3A_151 {dimension_numbers = #tpu.dot_dimension_numbers<[1], [0], [0], [1], [0, 0, 1, 1], [], []>, transpose_lhs_hint = false} : vector<256x256xbf16>, vector<256x128xbf16>, vector<256x128xf32> -> vector<256x128xf32>
    %add3A_153 = vector.broadcast %get3A_16 : vector<1x128xf32> to vector<256x128xf32>
    %add3A_154 = arith.addf %dot_general3A_152, %add3A_153 : vector<256x128xf32>
    %swap3A_155 = arith.constant 0 : index
    %swap3A_156 = arith.constant 1536 : index
    %swap3A_157 = vector.load %arg6[%swap3A_155, %swap3A_156] : memref<256x4096xf32, #tpu.memory_space<vmem>>, vector<256x128xf32>
    tpu.vector_store %arg6[%swap3A_155, %swap3A_156], %add3A_154 {strides = array<i32>} : memref<256x4096xf32, #tpu.memory_space<vmem>>, vector<256x128xf32>,
    %slice3A_158 = vector.extract_strided_slice %convert_element_type3A {offsets = [0, 3328], sizes = [256, 256], strides = [1, 1]} : vector<256x8192xbf16> to vector<256x256xbf16>
    %get3A_159 = arith.constant 0 : index
    %get3A_160 = arith.constant 0 : index
    %get3A_161 = vector.load %arg4[%get3A_159, %get3A_160] : memref<256x128xbf16, #tpu.memory_space<vmem>>, vector<256x128xbf16>
    %dot_general3A_162 = arith.constant dense<0.000000e+00> : vector<256x128xf32>
    %dot_general3A_163 = tpu.matmul %slice3A_158, %get3A_161, %dot_general3A_162 {dimension_numbers = #tpu.dot_dimension_numbers<[1], [0], [0], [1], [0, 0, 1, 1], [], []>, transpose_lhs_hint = false} : vector<256x256xbf16>, vector<256x128xbf16>, vector<256x128xf32> -> vector<256x128xf32>
    %add3A_164 = vector.broadcast %get3A_16 : vector<1x128xf32> to vector<256x128xf32>
    %add3A_165 = arith.addf %dot_general3A_163, %add3A_164 : vector<256x128xf32>
    %swap3A_166 = arith.constant 0 : index
    %swap3A_167 = arith.constant 1664 : index
    %swap3A_168 = vector.load %arg6[%swap3A_166, %swap3A_167] : memref<256x4096xf32, #tpu.memory_space<vmem>>, vector<256x128xf32>
    tpu.vector_store %arg6[%swap3A_166, %swap3A_167], %add3A_165 {strides = array<i32>} : memref<256x4096xf32, #tpu.memory_space<vmem>>, vector<256x128xf32>,
    %slice3A_169 = vector.extract_strided_slice %convert_element_type3A {offsets = [0, 3584], sizes = [256, 256], strides = [1, 1]} : vector<256x8192xbf16> to vector<256x256xbf16>
    %get3A_170 = arith.constant 0 : index
    %get3A_171 = arith.constant 0 : index
    %get3A_172 = vector.load %arg4[%get3A_170, %get3A_171] : memref<256x128xbf16, #tpu.memory_space<vmem>>, vector<256x128xbf16>
    %dot_general3A_173 = arith.constant dense<0.000000e+00> : vector<256x128xf32>
    %dot_general3A_174 = tpu.matmul %slice3A_169, %get3A_172, %dot_general3A_173 {dimension_numbers = #tpu.dot_dimension_numbers<[1], [0], [0], [1], [0, 0, 1, 1], [], []>, transpose_lhs_hint = false} : vector<256x256xbf16>, vector<256x128xbf16>, vector<256x128xf32> -> vector<256x128xf32>
    %add3A_175 = vector.broadcast %get3A_16 : vector<1x128xf32> to vector<256x128xf32>
    %add3A_176 = arith.addf %dot_general3A_174, %add3A_175 : vector<256x128xf32>
    %swap3A_177 = arith.constant 0 : index
    %swap3A_178 = arith.constant 1792 : index
    %swap3A_179 = vector.load %arg6[%swap3A_177, %swap3A_178] : memref<256x4096xf32, #tpu.memory_space<vmem>>, vector<256x128xf32>
    tpu.vector_store %arg6[%swap3A_177, %swap3A_178], %add3A_176 {strides = array<i32>} : memref<256x4096xf32, #tpu.memory_space<vmem>>, vector<256x128xf32>,
    %slice3A_180 = vector.extract_strided_slice %convert_element_type3A {offsets = [0, 3840], sizes = [256, 256], strides = [1, 1]} : vector<256x8192xbf16> to vector<256x256xbf16>
    %get3A_181 = arith.constant 0 : index
    %get3A_182 = arith.constant 0 : index
    %get3A_183 = vector.load %arg4[%get3A_181, %get3A_182] : memref<256x128xbf16, #tpu.memory_space<vmem>>, vector<256x128xbf16>
    %dot_general3A_184 = arith.constant dense<0.000000e+00> : vector<256x128xf32>
    %dot_general3A_185 = tpu.matmul %slice3A_180, %get3A_183, %dot_general3A_184 {dimension_numbers = #tpu.dot_dimension_numbers<[1], [0], [0], [1], [0, 0, 1, 1], [], []>, transpose_lhs_hint = false} : vector<256x256xbf16>, vector<256x128xbf16>, vector<256x128xf32> -> vector<256x128xf32>
    %add3A_186 = vector.broadcast %get3A_16 : vector<1x128xf32> to vector<256x128xf32>
    %add3A_187 = arith.addf %dot_general3A_185, %add3A_186 : vector<256x128xf32>
    %swap3A_188 = arith.constant 0 : index
    %swap3A_189 = arith.constant 1920 : index
    %swap3A_190 = vector.load %arg6[%swap3A_188, %swap3A_189] : memref<256x4096xf32, #tpu.memory_space<vmem>>, vector<256x128xf32>
    tpu.vector_store %arg6[%swap3A_188, %swap3A_189], %add3A_187 {strides = array<i32>} : memref<256x4096xf32, #tpu.memory_space<vmem>>, vector<256x128xf32>,
    %slice3A_191 = vector.extract_strided_slice %convert_element_type3A {offsets = [0, 4096], sizes = [256, 256], strides = [1, 1]} : vector<256x8192xbf16> to vector<256x256xbf16>
    %get3A_192 = arith.constant 0 : index
    %get3A_193 = arith.constant 0 : index
    %get3A_194 = vector.load %arg4[%get3A_192, %get3A_193] : memref<256x128xbf16, #tpu.memory_space<vmem>>, vector<256x128xbf16>
    %dot_general3A_195 = arith.constant dense<0.000000e+00> : vector<256x128xf32>
    %dot_general3A_196 = tpu.matmul %slice3A_191, %get3A_194, %dot_general3A_195 {dimension_numbers = #tpu.dot_dimension_numbers<[1], [0], [0], [1], [0, 0, 1, 1], [], []>, transpose_lhs_hint = false} : vector<256x256xbf16>, vector<256x128xbf16>, vector<256x128xf32> -> vector<256x128xf32>
    %add3A_197 = vector.broadcast %get3A_16 : vector<1x128xf32> to vector<256x128xf32>
    %add3A_198 = arith.addf %dot_general3A_196, %add3A_197 : vector<256x128xf32>
    %swap3A_199 = arith.constant 0 : index
    %swap3A_200 = arith.constant 2048 : index
    %swap3A_201 = vector.load %arg6[%swap3A_199, %swap3A_200] : memref<256x4096xf32, #tpu.memory_space<vmem>>, vector<256x128xf32>
    tpu.vector_store %arg6[%swap3A_199, %swap3A_200], %add3A_198 {strides = array<i32>} : memref<256x4096xf32, #tpu.memory_space<vmem>>, vector<256x128xf32>,
    %slice3A_202 = vector.extract_strided_slice %convert_element_type3A {offsets = [0, 4352], sizes = [256, 256], strides = [1, 1]} : vector<256x8192xbf16> to vector<256x256xbf16>
    %get3A_203 = arith.constant 0 : index
    %get3A_204 = arith.constant 0 : index
    %get3A_205 = vector.load %arg4[%get3A_203, %get3A_204] : memref<256x128xbf16, #tpu.memory_space<vmem>>, vector<256x128xbf16>
    %dot_general3A_206 = arith.constant dense<0.000000e+00> : vector<256x128xf32>
    %dot_general3A_207 = tpu.matmul %slice3A_202, %get3A_205, %dot_general3A_206 {dimension_numbers = #tpu.dot_dimension_numbers<[1], [0], [0], [1], [0, 0, 1, 1], [], []>, transpose_lhs_hint = false} : vector<256x256xbf16>, vector<256x128xbf16>, vector<256x128xf32> -> vector<256x128xf32>
    %add3A_208 = vector.broadcast %get3A_16 : vector<1x128xf32> to vector<256x128xf32>
    %add3A_209 = arith.addf %dot_general3A_207, %add3A_208 : vector<256x128xf32>
    %swap3A_210 = arith.constant 0 : index
    %swap3A_211 = arith.constant 2176 : index
    %swap3A_212 = vector.load %arg6[%swap3A_210, %swap3A_211] : memref<256x4096xf32, #tpu.memory_space<vmem>>, vector<256x128xf32>
    tpu.vector_store %arg6[%swap3A_210, %swap3A_211], %add3A_209 {strides = array<i32>} : memref<256x4096xf32, #tpu.memory_space<vmem>>, vector<256x128xf32>,
    %slice3A_213 = vector.extract_strided_slice %convert_element_type3A {offsets = [0, 4608], sizes = [256, 256], strides = [1, 1]} : vector<256x8192xbf16> to vector<256x256xbf16>
    %get3A_214 = arith.constant 0 : index
    %get3A_215 = arith.constant 0 : index
    %get3A_216 = vector.load %arg4[%get3A_214, %get3A_215] : memref<256x128xbf16, #tpu.memory_space<vmem>>, vector<256x128xbf16>
    %dot_general3A_217 = arith.constant dense<0.000000e+00> : vector<256x128xf32>
    %dot_general3A_218 = tpu.matmul %slice3A_213, %get3A_216, %dot_general3A_217 {dimension_numbers = #tpu.dot_dimension_numbers<[1], [0], [0], [1], [0, 0, 1, 1], [], []>, transpose_lhs_hint = false} : vector<256x256xbf16>, vector<256x128xbf16>, vector<256x128xf32> -> vector<256x128xf32>
    %add3A_219 = vector.broadcast %get3A_16 : vector<1x128xf32> to vector<256x128xf32>
    %add3A_220 = arith.addf %dot_general3A_218, %add3A_219 : vector<256x128xf32>
    %swap3A_221 = arith.constant 0 : index
    %swap3A_222 = arith.constant 2304 : index
    %swap3A_223 = vector.load %arg6[%swap3A_221, %swap3A_222] : memref<256x4096xf32, #tpu.memory_space<vmem>>, vector<256x128xf32>
    tpu.vector_store %arg6[%swap3A_221, %swap3A_222], %add3A_220 {strides = array<i32>} : memref<256x4096xf32, #tpu.memory_space<vmem>>, vector<256x128xf32>,
    %slice3A_224 = vector.extract_strided_slice %convert_element_type3A {offsets = [0, 4864], sizes = [256, 256], strides = [1, 1]} : vector<256x8192xbf16> to vector<256x256xbf16>
    %get3A_225 = arith.constant 0 : index
    %get3A_226 = arith.constant 0 : index
    %get3A_227 = vector.load %arg4[%get3A_225, %get3A_226] : memref<256x128xbf16, #tpu.memory_space<vmem>>, vector<256x128xbf16>
    %dot_general3A_228 = arith.constant dense<0.000000e+00> : vector<256x128xf32>
    %dot_general3A_229 = tpu.matmul %slice3A_224, %get3A_227, %dot_general3A_228 {dimension_numbers = #tpu.dot_dimension_numbers<[1], [0], [0], [1], [0, 0, 1, 1], [], []>, transpose_lhs_hint = false} : vector<256x256xbf16>, vector<256x128xbf16>, vector<256x128xf32> -> vector<256x128xf32>
    %add3A_230 = vector.broadcast %get3A_16 : vector<1x128xf32> to vector<256x128xf32>
    %add3A_231 = arith.addf %dot_general3A_229, %add3A_230 : vector<256x128xf32>
    %swap3A_232 = arith.constant 0 : index
    %swap3A_233 = arith.constant 2432 : index
    %swap3A_234 = vector.load %arg6[%swap3A_232, %swap3A_233] : memref<256x4096xf32, #tpu.memory_space<vmem>>, vector<256x128xf32>
    tpu.vector_store %arg6[%swap3A_232, %swap3A_233], %add3A_231 {strides = array<i32>} : memref<256x4096xf32, #tpu.memory_space<vmem>>, vector<256x128xf32>,
    %slice3A_235 = vector.extract_strided_slice %convert_element_type3A {offsets = [0, 5120], sizes = [256, 256], strides = [1, 1]} : vector<256x8192xbf16> to vector<256x256xbf16>
    %get3A_236 = arith.constant 0 : index
    %get3A_237 = arith.constant 0 : index
    %get3A_238 = vector.load %arg4[%get3A_236, %get3A_237] : memref<256x128xbf16, #tpu.memory_space<vmem>>, vector<256x128xbf16>
    %dot_general3A_239 = arith.constant dense<0.000000e+00> : vector<256x128xf32>
    %dot_general3A_240 = tpu.matmul %slice3A_235, %get3A_238, %dot_general3A_239 {dimension_numbers = #tpu.dot_dimension_numbers<[1], [0], [0], [1], [0, 0, 1, 1], [], []>, transpose_lhs_hint = false} : vector<256x256xbf16>, vector<256x128xbf16>, vector<256x128xf32> -> vector<256x128xf32>
    %add3A_241 = vector.broadcast %get3A_16 : vector<1x128xf32> to vector<256x128xf32>
    %add3A_242 = arith.addf %dot_general3A_240, %add3A_241 : vector<256x128xf32>
    %swap3A_243 = arith.constant 0 : index
    %swap3A_244 = arith.constant 2560 : index
    %swap3A_245 = vector.load %arg6[%swap3A_243, %swap3A_244] : memref<256x4096xf32, #tpu.memory_space<vmem>>, vector<256x128xf32>
    tpu.vector_store %arg6[%swap3A_243, %swap3A_244], %add3A_242 {strides = array<i32>} : memref<256x4096xf32, #tpu.memory_space<vmem>>, vector<256x128xf32>,
    %slice3A_246 = vector.extract_strided_slice %convert_element_type3A {offsets = [0, 5376], sizes = [256, 256], strides = [1, 1]} : vector<256x8192xbf16> to vector<256x256xbf16>
    %get3A_247 = arith.constant 0 : index
    %get3A_248 = arith.constant 0 : index
    %get3A_249 = vector.load %arg4[%get3A_247, %get3A_248] : memref<256x128xbf16, #tpu.memory_space<vmem>>, vector<256x128xbf16>
    %dot_general3A_250 = arith.constant dense<0.000000e+00> : vector<256x128xf32>
    %dot_general3A_251 = tpu.matmul %slice3A_246, %get3A_249, %dot_general3A_250 {dimension_numbers = #tpu.dot_dimension_numbers<[1], [0], [0], [1], [0, 0, 1, 1], [], []>, transpose_lhs_hint = false} : vector<256x256xbf16>, vector<256x128xbf16>, vector<256x128xf32> -> vector<256x128xf32>
    %add3A_252 = vector.broadcast %get3A_16 : vector<1x128xf32> to vector<256x128xf32>
    %add3A_253 = arith.addf %dot_general3A_251, %add3A_252 : vector<256x128xf32>
    %swap3A_254 = arith.constant 0 : index
    %swap3A_255 = arith.constant 2688 : index
    %swap3A_256 = vector.load %arg6[%swap3A_254, %swap3A_255] : memref<256x4096xf32, #tpu.memory_space<vmem>>, vector<256x128xf32>
    tpu.vector_store %arg6[%swap3A_254, %swap3A_255], %add3A_253 {strides = array<i32>} : memref<256x4096xf32, #tpu.memory_space<vmem>>, vector<256x128xf32>,
    %slice3A_257 = vector.extract_strided_slice %convert_element_type3A {offsets = [0, 5632], sizes = [256, 256], strides = [1, 1]} : vector<256x8192xbf16> to vector<256x256xbf16>
    %get3A_258 = arith.constant 0 : index
    %get3A_259 = arith.constant 0 : index
    %get3A_260 = vector.load %arg4[%get3A_258, %get3A_259] : memref<256x128xbf16, #tpu.memory_space<vmem>>, vector<256x128xbf16>
    %dot_general3A_261 = arith.constant dense<0.000000e+00> : vector<256x128xf32>
    %dot_general3A_262 = tpu.matmul %slice3A_257, %get3A_260, %dot_general3A_261 {dimension_numbers = #tpu.dot_dimension_numbers<[1], [0], [0], [1], [0, 0, 1, 1], [], []>, transpose_lhs_hint = false} : vector<256x256xbf16>, vector<256x128xbf16>, vector<256x128xf32> -> vector<256x128xf32>
    %add3A_263 = vector.broadcast %get3A_16 : vector<1x128xf32> to vector<256x128xf32>
    %add3A_264 = arith.addf %dot_general3A_262, %add3A_263 : vector<256x128xf32>
    %swap3A_265 = arith.constant 0 : index
    %swap3A_266 = arith.constant 2816 : index
    %swap3A_267 = vector.load %arg6[%swap3A_265, %swap3A_266] : memref<256x4096xf32, #tpu.memory_space<vmem>>, vector<256x128xf32>
    tpu.vector_store %arg6[%swap3A_265, %swap3A_266], %add3A_264 {strides = array<i32>} : memref<256x4096xf32, #tpu.memory_space<vmem>>, vector<256x128xf32>,
    %slice3A_268 = vector.extract_strided_slice %convert_element_type3A {offsets = [0, 5888], sizes = [256, 256], strides = [1, 1]} : vector<256x8192xbf16> to vector<256x256xbf16>
    %get3A_269 = arith.constant 0 : index
    %get3A_270 = arith.constant 0 : index
    %get3A_271 = vector.load %arg4[%get3A_269, %get3A_270] : memref<256x128xbf16, #tpu.memory_space<vmem>>, vector<256x128xbf16>
    %dot_general3A_272 = arith.constant dense<0.000000e+00> : vector<256x128xf32>
    %dot_general3A_273 = tpu.matmul %slice3A_268, %get3A_271, %dot_general3A_272 {dimension_numbers = #tpu.dot_dimension_numbers<[1], [0], [0], [1], [0, 0, 1, 1], [], []>, transpose_lhs_hint = false} : vector<256x256xbf16>, vector<256x128xbf16>, vector<256x128xf32> -> vector<256x128xf32>
    %add3A_274 = vector.broadcast %get3A_16 : vector<1x128xf32> to vector<256x128xf32>
    %add3A_275 = arith.addf %dot_general3A_273, %add3A_274 : vector<256x128xf32>
    %swap3A_276 = arith.constant 0 : index
    %swap3A_277 = arith.constant 2944 : index
    %swap3A_278 = vector.load %arg6[%swap3A_276, %swap3A_277] : memref<256x4096xf32, #tpu.memory_space<vmem>>, vector<256x128xf32>
    tpu.vector_store %arg6[%swap3A_276, %swap3A_277], %add3A_275 {strides = array<i32>} : memref<256x4096xf32, #tpu.memory_space<vmem>>, vector<256x128xf32>,
    %slice3A_279 = vector.extract_strided_slice %convert_element_type3A {offsets = [0, 6144], sizes = [256, 256], strides = [1, 1]} : vector<256x8192xbf16> to vector<256x256xbf16>
    %get3A_280 = arith.constant 0 : index
    %get3A_281 = arith.constant 0 : index
    %get3A_282 = vector.load %arg4[%get3A_280, %get3A_281] : memref<256x128xbf16, #tpu.memory_space<vmem>>, vector<256x128xbf16>
    %dot_general3A_283 = arith.constant dense<0.000000e+00> : vector<256x128xf32>
    %dot_general3A_284 = tpu.matmul %slice3A_279, %get3A_282, %dot_general3A_283 {dimension_numbers = #tpu.dot_dimension_numbers<[1], [0], [0], [1], [0, 0, 1, 1], [], []>, transpose_lhs_hint = false} : vector<256x256xbf16>, vector<256x128xbf16>, vector<256x128xf32> -> vector<256x128xf32>
    %add3A_285 = vector.broadcast %get3A_16 : vector<1x128xf32> to vector<256x128xf32>
    %add3A_286 = arith.addf %dot_general3A_284, %add3A_285 : vector<256x128xf32>
    %swap3A_287 = arith.constant 0 : index
    %swap3A_288 = arith.constant 3072 : index
    %swap3A_289 = vector.load %arg6[%swap3A_287, %swap3A_288] : memref<256x4096xf32, #tpu.memory_space<vmem>>, vector<256x128xf32>
    tpu.vector_store %arg6[%swap3A_287, %swap3A_288], %add3A_286 {strides = array<i32>} : memref<256x4096xf32, #tpu.memory_space<vmem>>, vector<256x128xf32>,
    %slice3A_290 = vector.extract_strided_slice %convert_element_type3A {offsets = [0, 6400], sizes = [256, 256], strides = [1, 1]} : vector<256x8192xbf16> to vector<256x256xbf16>
    %get3A_291 = arith.constant 0 : index
    %get3A_292 = arith.constant 0 : index
    %get3A_293 = vector.load %arg4[%get3A_291, %get3A_292] : memref<256x128xbf16, #tpu.memory_space<vmem>>, vector<256x128xbf16>
    %dot_general3A_294 = arith.constant dense<0.000000e+00> : vector<256x128xf32>
    %dot_general3A_295 = tpu.matmul %slice3A_290, %get3A_293, %dot_general3A_294 {dimension_numbers = #tpu.dot_dimension_numbers<[1], [0], [0], [1], [0, 0, 1, 1], [], []>, transpose_lhs_hint = false} : vector<256x256xbf16>, vector<256x128xbf16>, vector<256x128xf32> -> vector<256x128xf32>
    %add3A_296 = vector.broadcast %get3A_16 : vector<1x128xf32> to vector<256x128xf32>
    %add3A_297 = arith.addf %dot_general3A_295, %add3A_296 : vector<256x128xf32>
    %swap3A_298 = arith.constant 0 : index
    %swap3A_299 = arith.constant 3200 : index
    %swap3A_300 = vector.load %arg6[%swap3A_298, %swap3A_299] : memref<256x4096xf32, #tpu.memory_space<vmem>>, vector<256x128xf32>
    tpu.vector_store %arg6[%swap3A_298, %swap3A_299], %add3A_297 {strides = array<i32>} : memref<256x4096xf32, #tpu.memory_space<vmem>>, vector<256x128xf32>,
    %slice3A_301 = vector.extract_strided_slice %convert_element_type3A {offsets = [0, 6656], sizes = [256, 256], strides = [1, 1]} : vector<256x8192xbf16> to vector<256x256xbf16>
    %get3A_302 = arith.constant 0 : index
    %get3A_303 = arith.constant 0 : index
    %get3A_304 = vector.load %arg4[%get3A_302, %get3A_303] : memref<256x128xbf16, #tpu.memory_space<vmem>>, vector<256x128xbf16>
    %dot_general3A_305 = arith.constant dense<0.000000e+00> : vector<256x128xf32>
    %dot_general3A_306 = tpu.matmul %slice3A_301, %get3A_304, %dot_general3A_305 {dimension_numbers = #tpu.dot_dimension_numbers<[1], [0], [0], [1], [0, 0, 1, 1], [], []>, transpose_lhs_hint = false} : vector<256x256xbf16>, vector<256x128xbf16>, vector<256x128xf32> -> vector<256x128xf32>
    %add3A_307 = vector.broadcast %get3A_16 : vector<1x128xf32> to vector<256x128xf32>
    %add3A_308 = arith.addf %dot_general3A_306, %add3A_307 : vector<256x128xf32>
    %swap3A_309 = arith.constant 0 : index
    %swap3A_310 = arith.constant 3328 : index
    %swap3A_311 = vector.load %arg6[%swap3A_309, %swap3A_310] : memref<256x4096xf32, #tpu.memory_space<vmem>>, vector<256x128xf32>
    tpu.vector_store %arg6[%swap3A_309, %swap3A_310], %add3A_308 {strides = array<i32>} : memref<256x4096xf32, #tpu.memory_space<vmem>>, vector<256x128xf32>,
    %slice3A_312 = vector.extract_strided_slice %convert_element_type3A {offsets = [0, 6912], sizes = [256, 256], strides = [1, 1]} : vector<256x8192xbf16> to vector<256x256xbf16>
    %get3A_313 = arith.constant 0 : index
    %get3A_314 = arith.constant 0 : index
    %get3A_315 = vector.load %arg4[%get3A_313, %get3A_314] : memref<256x128xbf16, #tpu.memory_space<vmem>>, vector<256x128xbf16>
    %dot_general3A_316 = arith.constant dense<0.000000e+00> : vector<256x128xf32>
    %dot_general3A_317 = tpu.matmul %slice3A_312, %get3A_315, %dot_general3A_316 {dimension_numbers = #tpu.dot_dimension_numbers<[1], [0], [0], [1], [0, 0, 1, 1], [], []>, transpose_lhs_hint = false} : vector<256x256xbf16>, vector<256x128xbf16>, vector<256x128xf32> -> vector<256x128xf32>
    %add3A_318 = vector.broadcast %get3A_16 : vector<1x128xf32> to vector<256x128xf32>
    %add3A_319 = arith.addf %dot_general3A_317, %add3A_318 : vector<256x128xf32>
    %swap3A_320 = arith.constant 0 : index
    %swap3A_321 = arith.constant 3456 : index
    %swap3A_322 = vector.load %arg6[%swap3A_320, %swap3A_321] : memref<256x4096xf32, #tpu.memory_space<vmem>>, vector<256x128xf32>
    tpu.vector_store %arg6[%swap3A_320, %swap3A_321], %add3A_319 {strides = array<i32>} : memref<256x4096xf32, #tpu.memory_space<vmem>>, vector<256x128xf32>,
    %slice3A_323 = vector.extract_strided_slice %convert_element_type3A {offsets = [0, 7168], sizes = [256, 256], strides = [1, 1]} : vector<256x8192xbf16> to vector<256x256xbf16>
    %get3A_324 = arith.constant 0 : index
    %get3A_325 = arith.constant 0 : index
    %get3A_326 = vector.load %arg4[%get3A_324, %get3A_325] : memref<256x128xbf16, #tpu.memory_space<vmem>>, vector<256x128xbf16>
    %dot_general3A_327 = arith.constant dense<0.000000e+00> : vector<256x128xf32>
    %dot_general3A_328 = tpu.matmul %slice3A_323, %get3A_326, %dot_general3A_327 {dimension_numbers = #tpu.dot_dimension_numbers<[1], [0], [0], [1], [0, 0, 1, 1], [], []>, transpose_lhs_hint = false} : vector<256x256xbf16>, vector<256x128xbf16>, vector<256x128xf32> -> vector<256x128xf32>
    %add3A_329 = vector.broadcast %get3A_16 : vector<1x128xf32> to vector<256x128xf32>
    %add3A_330 = arith.addf %dot_general3A_328, %add3A_329 : vector<256x128xf32>
    %swap3A_331 = arith.constant 0 : index
    %swap3A_332 = arith.constant 3584 : index
    %swap3A_333 = vector.load %arg6[%swap3A_331, %swap3A_332] : memref<256x4096xf32, #tpu.memory_space<vmem>>, vector<256x128xf32>
    tpu.vector_store %arg6[%swap3A_331, %swap3A_332], %add3A_330 {strides = array<i32>} : memref<256x4096xf32, #tpu.memory_space<vmem>>, vector<256x128xf32>,
    %slice3A_334 = vector.extract_strided_slice %convert_element_type3A {offsets = [0, 7424], sizes = [256, 256], strides = [1, 1]} : vector<256x8192xbf16> to vector<256x256xbf16>
    %get3A_335 = arith.constant 0 : index
    %get3A_336 = arith.constant 0 : index
    %get3A_337 = vector.load %arg4[%get3A_335, %get3A_336] : memref<256x128xbf16, #tpu.memory_space<vmem>>, vector<256x128xbf16>
    %dot_general3A_338 = arith.constant dense<0.000000e+00> : vector<256x128xf32>
    %dot_general3A_339 = tpu.matmul %slice3A_334, %get3A_337, %dot_general3A_338 {dimension_numbers = #tpu.dot_dimension_numbers<[1], [0], [0], [1], [0, 0, 1, 1], [], []>, transpose_lhs_hint = false} : vector<256x256xbf16>, vector<256x128xbf16>, vector<256x128xf32> -> vector<256x128xf32>
    %add3A_340 = vector.broadcast %get3A_16 : vector<1x128xf32> to vector<256x128xf32>
    %add3A_341 = arith.addf %dot_general3A_339, %add3A_340 : vector<256x128xf32>
    %swap3A_342 = arith.constant 0 : index
    %swap3A_343 = arith.constant 3712 : index
    %swap3A_344 = vector.load %arg6[%swap3A_342, %swap3A_343] : memref<256x4096xf32, #tpu.memory_space<vmem>>, vector<256x128xf32>
    tpu.vector_store %arg6[%swap3A_342, %swap3A_343], %add3A_341 {strides = array<i32>} : memref<256x4096xf32, #tpu.memory_space<vmem>>, vector<256x128xf32>,
    %slice3A_345 = vector.extract_strided_slice %convert_element_type3A {offsets = [0, 7680], sizes = [256, 256], strides = [1, 1]} : vector<256x8192xbf16> to vector<256x256xbf16>
    %get3A_346 = arith.constant 0 : index
    %get3A_347 = arith.constant 0 : index
    %get3A_348 = vector.load %arg4[%get3A_346, %get3A_347] : memref<256x128xbf16, #tpu.memory_space<vmem>>, vector<256x128xbf16>
    %dot_general3A_349 = arith.constant dense<0.000000e+00> : vector<256x128xf32>
    %dot_general3A_350 = tpu.matmul %slice3A_345, %get3A_348, %dot_general3A_349 {dimension_numbers = #tpu.dot_dimension_numbers<[1], [0], [0], [1], [0, 0, 1, 1], [], []>, transpose_lhs_hint = false} : vector<256x256xbf16>, vector<256x128xbf16>, vector<256x128xf32> -> vector<256x128xf32>
    %add3A_351 = vector.broadcast %get3A_16 : vector<1x128xf32> to vector<256x128xf32>
    %add3A_352 = arith.addf %dot_general3A_350, %add3A_351 : vector<256x128xf32>
    %swap3A_353 = arith.constant 0 : index
    %swap3A_354 = arith.constant 3840 : index
    %swap3A_355 = vector.load %arg6[%swap3A_353, %swap3A_354] : memref<256x4096xf32, #tpu.memory_space<vmem>>, vector<256x128xf32>
    tpu.vector_store %arg6[%swap3A_353, %swap3A_354], %add3A_352 {strides = array<i32>} : memref<256x4096xf32, #tpu.memory_space<vmem>>, vector<256x128xf32>,
    %slice3A_356 = vector.extract_strided_slice %convert_element_type3A {offsets = [0, 7936], sizes = [256, 256], strides = [1, 1]} : vector<256x8192xbf16> to vector<256x256xbf16>
    %get3A_357 = arith.constant 0 : index
    %get3A_358 = arith.constant 0 : index
    %get3A_359 = vector.load %arg4[%get3A_357, %get3A_358] : memref<256x128xbf16, #tpu.memory_space<vmem>>, vector<256x128xbf16>
    %dot_general3A_360 = arith.constant dense<0.000000e+00> : vector<256x128xf32>
    %dot_general3A_361 = tpu.matmul %slice3A_356, %get3A_359, %dot_general3A_360 {dimension_numbers = #tpu.dot_dimension_numbers<[1], [0], [0], [1], [0, 0, 1, 1], [], []>, transpose_lhs_hint = false} : vector<256x256xbf16>, vector<256x128xbf16>, vector<256x128xf32> -> vector<256x128xf32>
    %add3A_362 = vector.broadcast %get3A_16 : vector<1x128xf32> to vector<256x128xf32>
    %add3A_363 = arith.addf %dot_general3A_361, %add3A_362 : vector<256x128xf32>
    %swap3A_364 = arith.constant 0 : index
    %swap3A_365 = arith.constant 3968 : index
    %swap3A_366 = vector.load %arg6[%swap3A_364, %swap3A_365] : memref<256x4096xf32, #tpu.memory_space<vmem>>, vector<256x128xf32>
    tpu.vector_store %arg6[%swap3A_364, %swap3A_365], %add3A_363 {strides = array<i32>} : memref<256x4096xf32, #tpu.memory_space<vmem>>, vector<256x128xf32>,
    return
  }
  func.func @transform_0(%arg0: i32, %arg1: i32) -> (i32, i32) {
    %c0_i32 = arith.constant 0 : i32
    %c0_i32_0 = arith.constant 0 : i32
    return %arg0, %c0_i32 : i32, i32
  }
  func.func @transform_1(%arg0: i32, %arg1: i32) -> (i32, i32) {
    %c0_i32 = arith.constant 0 : i32
    %c0_i32_0 = arith.constant 0 : i32
    return %c0_i32, %arg1 : i32, i32
  }
  func.func @transform_2(%arg0: i32, %arg1: i32) -> (i32, i32) {
    %c0_i32 = arith.constant 0 : i32
    %c0_i32_0 = arith.constant 0 : i32
    %c0_i32_1 = arith.constant 0 : i32
    return %c0_i32, %c0_i32_0 : i32, i32
  }
  func.func @transform_3(%arg0: i32, %arg1: i32) -> (i32, i32) {
    %c0_i32 = arith.constant 0 : i32
    %c0_i32_0 = arith.constant 0 : i32
    %c0_i32_1 = arith.constant 0 : i32
    return %c0_i32, %c0_i32_0 : i32, i32
  }
  func.func @transform_4(%arg0: i32, %arg1: i32) -> (i32, i32) {
    %c0_i32 = arith.constant 0 : i32
    return %arg0, %arg1 : i32, i32
  }
}

</mosaic_0001>

<sc_bundles>
// kernel: sparse-core-data-format-call.cloned.1.call-start
scs
called_computation_lowered:
.L_overlay_start_0:
0x0: {  	s2 =	sld [smem:$0x3FD9]  }
0x1: {  	s3 =	sld [smem:$0x3FFE];
	_ =	sdelay $0x1  }
0x2: {  	s1 =	srdreg.scid  }
0x3: {  	s0 =	sand.u32 $0x1, s1  }
0x4: {  	s18 =	sshll.u32 s0, $0xA;
	s2 =	sadd.s32 s3, s2  }
0x5: {  	s2 =	sadd.s32 s2, s18  }
0x6: {  	[smem:$0x3FBC] =	sst s2  }
0x7: {  	_ = 	snop  }
0x8: {  	s2 =	sld [smem:$0x3FD0];
	(tm) =	ssettm $0x1  }
0x9: {  	s19 =	sld [smem:$0x3FFB];
	_ =	sdelay $0x3  }
0xa: {  	_ =	strace s19  }
0xb: {  	s3 =	sld [smem:$0x3FFC];
	_ =	sdelay $0x3  }
0xc: {  	_ =	strace s3  }
0xd: {  	s3 =	sld [smem:$0x3FFD];
	_ =	sdelay $0x3  }
0xe: {  	_ =	strace s3  }
0xf: {  	_ =	strace $0x8FFFFFFF  }
0x10: {  	s20 =	sld [smem:$0x3FDB];
	_ =	sdelay $0x1  }
0x11: {  	s4 =	simm.s32 $_scs_section_size  }
0x12: {  	s5 =	simm.s32 $_size__tile_overlayer_lowered;
	s6 =	simm.s32 $_tile_overlayer_lowered  }
0x13: {  	s23 =	simm.s32 $0x1BFF;
	s22 =	sshll.u32 s6, $0x1;
	s3 =	sadd.s32 s4, s20  }
0x14: {  	s7 =	simm.s32 $0x0;
	s21 =	sshll.u32 s5, $0x1;
	s5 =	sadd.s32 s22, s3  }
0x15: {  	[timem:s7], [sflag:s23] =	dma.local [hbm:s5], s21  }
0x16: {  	_ =	swait.ge [sflag:s23], s21  }
0x17: {  	s4 =	ssub.s32 $0x0, s21;
	[sflag:s23] =	ssyncset.done $0x0  }
0x18: {  	[sflag:s23] =	ssyncadd.s32 s4;
	_ =	sdelay $0x1  }
0x19: {  	s24 =	simm.s32 $0x1B8B  }
0x1a: {  	_ =	swait.ge [sflag:s24], $0x1  }
0x1b: {  	[sflag:s24] =	ssyncset.done $0x0  }
0x1c: {  	s26 =	simm.s32 $0x1B8E;
	s25 =	sld [smem:$0x3FFE];
	[sflag:s24] =	ssyncadd.s32 $0xFFFFFFFF  }
0x1d: {  	s27 =	simm.s32 $execute0_lowered;
	[smem:$0x3FD2] =	sst s26  }
0x1e: {  	s5 =	sshll.u32 s27, $0x1;
	_ =	strace $0x80000046;
	[dreg:$0x1] =	wrdreg $0xFFFFFFFF  }
0x1f: {  	s28 =	simm.s32 $_size_execute0_lowered;
	s3 =	sadd.s32 s3, s5;
	[dreg:$0x0] =	wrdreg $0x0  }
0x20: {  	s5 =	sshll.u32 s28, $0x1;
	[dreg:$0x2] =	wrdreg s3  }
0x21: {  	[dreg:$0x3] =	wrdreg s5  }
0x22: {  	[dreg:$0x4] =	wrdreg $0xC0  }
0x23: {  	_ =	task [dreg:s7], $0x5FFFF  }
0x24: {  	[dreg:$0x1] =	wrdreg $0xFFFFFFFF  }
0x25: {  	[dreg:$0x0] =	wrdreg $0x60  }
0x26: {  	[dreg:$0x2] =	wrdreg s25  }
0x27: {  	[dreg:$0x3] =	wrdreg s2  }
0x28: {  	[dreg:$0x4] =	wrdreg $0x9  }
0x29: {  	_ =	task.clear_ibuf [dreg:s7], $0x5FFFF;
	_ =	strace $0x90000046  }
0x2a: {  	s29 =	simm.s32 $0x9;
	_ =	strace $0x80000048  }
0x2b: {  	_ =	swait.ge [sflag:s29], $0x1  }
0x2c: {  	[sflag:s29] =	ssyncadd.s32 $0xFFFFFFFF  }
0x2d: {  	_ =	strace $0x90000048  }
0x2e: {  	_ =	sfence  }
0x2f: {  	s30 =	sld [smem:$0x0];
	_ =	sdelay $0x2  }
0x30: {  	s31 =	sshll.u32 s1, $0xD;
	s1 =	sshrl.u32 s1, $0x2  }
0x31: {  	s3 =	sand.u32 $0x4000, s31;
	s1 =	sadd.s32 s1, s30  }
0x32: {  	s0 =	sor.u32 s3, s0;
	s1 =	sshll.u32 s1, $0x11  }
0x33: {  	s0 =	sor.u32 s1, s0  }
0x34: {  	s0 =	sadd.s32 $0x8F2B, s0  }
0x35: {  	[sflag:s0] =	ssyncadd.remote.s32 $0x1  }
0x36: {  	_ =	sfence.sel $0xFFFF  }
0x37: {  	[dreg:$0x0] =	wrdreg $0xFFFFFFFF;
	(pc) =	sbr.abs _section_cstart, $3  }
0x38: {  	[dreg:$0x1] =	wrdreg $0xFFFFFFFF  }
0x39: {  	_ =	task.clear_ibuf [dreg:s7], $0x2FFFF;
	_ =	strace $0x9FFFFFFF  }
0x3a: {  	(tm) =	ssettm $0x7FFFFFFF  }
0x3b: {  	_ =	shalt  }
tec
execute0_lowered:
.L_overlay_start_1:
0x0: {  	(tag) =	ssettag $0x1  }
0x1: {  	s4 =	rddreg [dreg:$0x0]  }
0x2: {  	s0 =	stileid.u32;
	s2 =	rddreg [dreg:$0x1]  }
0x3: {  	s1 =	rddreg [dreg:$0x2];
	_ =	strace $0x80000047;
	s5 =	srdreg.scid  }
0x4: {  	s31 =	simm.s32 $0x2;
	s14 =	simm.s32 $0x0;
	s9 =	simm.s32 $0x4000  }
0x5: {  	s16 =	simm.s32 $0x0;
	s15 =	simm.s32 $0x0;
	s3 =	sshll.u32 s0, $0x7  }
0x6: {  	s10 =	simm.s32 $0x0;
	s5 =	sshll.u32 s5, $0x4;
	s3 =	sand.u32 $0x380, s3  }
0x7: {  	s13 =	simm.s32 $0x0;
	s5 =	sand.u32 $0x10, s5;
	s6 =	ssub.s32 $0x400, s3  }
0x8: {  	s4 =	sadd.s32 $0xC00, s4;
	s5 =	sor.u32 s0, s5;
	s7 =	sand.u32 $0x380, s6  }
.Ltmp0:
0x9: {  	p0 =	sne.s32 s7, $0x0;
	s7 =	simm.s32 $0x1;
	(pc) =	sbr.rel .LBB1_1-.Ltmp0, $4  }
0xa: {  	s12 =	smov.u32 s3;
	s8 =	sshrl.u32 s6, $0xA;
	s7 =	simm.s32 @!p0 $0x0  }
0xb: {  	s5 =	sshrl.u32 s5, $0x3;
	s6 =	simm.s32 $0x1;
	s7 =	sadd.s32 s7, s8  }
0xc: {  	[sflag:s6] =	ssyncpa.u1 $0x0;
	s11 =	smov.u32 s5;
	s7 =	sshll.u32 s7, $0x6  }
0xd: {  	[sflag:s31] =	ssyncpa.u1 $0x0;
	p0 =	por $0x0, $0x0;
	s8 =	sor.u32 $0x1, s7  }
.LBB1_4:
0xe: {  	v5 =	vld [tilespmem:s20+$0xFFFFFFD0];
	[tilespmem:s19+$0x2040 ss:$0x81] =	vst.msk $0xffff, v1  }
0xf: {  	v58 =	vld [tilespmem:s20+$0xFFFFFFE0];
	[tilespmem:s19+$0x2850 ss:$0x81] =	vst.msk $0xffff, v2  }
0x10: {  	s21 =	sshra.s32 s21, $0x2;
	v59 =	vld [tilespmem:s20+$0xFFFFFFF0];
	[tilespmem:s19+$0x3060 ss:$0x81] =	vst.msk $0xffff, v3  }
0x11: {  	v60 =	vld [tilespmem:s20+$0x0];
	[tilespmem:s19+$0x0 ss:$0x81] =	vst.msk $0xffff, v0;
	s18 =	sadd.s32 s21, s18  }
0x12: {  	v61 =	vld [tilespmem:s20+$0x10];
	[tilespmem:s18+$0x3870 ss:$0x81] =	vst.msk $0xffff, v4  }
0x13: {  	v62 =	vld [tilespmem:s20+$0x20];
	s26 =	sshll.u32 s16, $0xA;
	s27 =	sshll.u32 s15, $0x3;
	[tilespmem:s18+$0x810 ss:$0x81] =	vst.msk $0xffff, v5  }
0x14: {  	v63 =	vld [tilespmem:s20+$0xFFFFFFC0];
	s29 =	sshll.u32 s16, $0x7;
	s30 =	sand.u32 $0x78, s15;
	s14 =	sshll.u32 s14, $0xB;
	[tilespmem:s18+$0x1020 ss:$0x81] =	vst.msk $0xffff, v58  }
0x15: {  	s19 =	sand.u32 $0x2000, s26;
	s28 =	sand.u32 $0x3C00, s27;
	s16 =	sand.u32 $0x380, s29;
	[tilespmem:s18+$0x1830 ss:$0x81] =	vst.msk $0xffff, v59  }
0x16: {  	s31 =	sand.u32 $0x7, s15;
	s19 =	sadd.s32 s28, s19;
	s16 =	sor.u32 s30, s16;
	[tilespmem:s18+$0x2040 ss:$0x81] =	vst.msk $0xffff, v60  }
0x17: {  	s14 =	sadd.s32 s2, s14;
	s19 =	sshrl.u32 s19, $0x3;
	s16 =	sshrl.u32 s16, $0x3;
	[tilespmem:s18+$0x2850 ss:$0x81] =	vst.msk $0xffff, v61  }
0x18: {  	s15 =	sshll.u32 s31, $0x12;
	s19 =	sand.u32 $0x780, s19;
	s14 =	sadd.s32 s16, s14;
	[tilespmem:s18+$0x3060 ss:$0x81] =	vst.msk $0xffff, v62  }
0x19: {  	s15 =	sor.u32 $0x80, s15;
	[tilespmem:s18+$0x0 ss:$0x81] =	vst.msk $0xffff, v63;
	s14 =	sadd.s32 s19, s14  }
0x1a: {  	[hbm4b:s14+s15] =	stream.strided.scatter [tilespmem:s17], [sflag:$0x2], $0x4000, s9, s15, $0x20;
	[tilespmem:$0x10100] =	vst v63  }
.LBB1_5:
0x1b: {  	s17 =	sadd.s32 $0x80, s10  }
0x1c: {  	s14 =	sadd.s32 $0x4, s11;
	s18 =	smov.u32 s11;
	p2 =	sgt.s32 s17, $0x7FF  }
0x1d: {  	s18 =	smov.u32 @p2 s14  }
0x1e: {  	s20 =	smov.u32 s12;
	s14 =	sadd.s32 $0x400, s12;
	p3 =	sgt.s32 s18, $0xF  }
0x1f: {  	s20 =	smov.u32 @p3 s14  }
0x20: {  	s17 =	simm.s32 @p2 $0x0;
	p2 =	sgt.s32 s20, $0x3FF  }
0x21: {  	p1 =	slt.u32 s13, $0x2;
	s20 =	smov.u32 @p2 s3;
	p2 =	sne.s32 s13, s8  }
.Ltmp1:
0x22: {  	s19 =	simm.s32 @!p1 $0x2;
	(pc) =	sbr.rel @!p2 .LBB1_6-.Ltmp1, $4  }
0x23: {  	s16 =	smov.u32 s11;
	s15 =	smov.u32 s12;
	_ =	swait.ge @!p1 [sflag:s19], $0x4000  }
0x24: {  	p0 =	por !p0, !p0;
	[sflag:s19] =	ssyncset.done @!p1 $0x0;
	s18 =	smov.u32 @p3 s5  }
0x25: {  	s14 =	smov.u32 s10;
	[sflag:s19] =	ssyncadd.s32 @!p1 $0xFFFFC000;
	s10 =	smov.u32 s17  }
0x26: {  	s11 =	smov.u32 s18;
	s13 =	sadd.s32 $0x1, s13;
	s12 =	smov.u32 s20  }
.LBB1_1:
0x27: {  	p1 =	sge.u32 s13, s7;
	s31 =	sadd.s32 $0xFFFFFFFF, s13  }
0x28: {  	s17 =	sxor.u32 @!p1 $0xFFFFFFFF, s13;
	s18 =	sand.u32 @!p1 $0x78, s10;
	s19 =	sshll.u32 @!p1 s11, $0xB  }
0x29: {  	s20 =	sshll.u32 @!p1 s11, $0x7;
	s21 =	sshll.u32 @!p1 s10, $0x3;
	s17 =	sshll.u32 @!p1 s17, $0xE  }
0x2a: {  	s19 =	sand.u32 @!p1 $0x4000, s19;
	s20 =	sand.u32 @!p1 $0x380, s20;
	s17 =	sand.u32 @!p1 $0x4000, s17  }
0x2b: {  	s19 =	sadd.s32 @!p1 s19, s21;
	s21 =	sand.u32 @!p1 $0x400, s21;
	s18 =	sor.u32 @!p1 s20, s18  }
0x2c: {  	s20 =	sshll.u32 @!p1 s12, $0xC;
	s18 =	sor.u32 @!p1 s21, s18;
	s19 =	sshrl.u32 @!p1 s19, $0x3  }
0x2d: {  	s20 =	sadd.s32 @!p1 s4, s20;
	s21 =	sand.u32 @!p1 $0x7, s10;
	s19 =	sand.u32 @!p1 $0xF00, s19  }
0x2e: {  	s18 =	sshrl.u32 @!p1 s18, $0x3;
	s19 =	sadd.s32 @!p1 s19, s20;
	s20 =	sshll.u32 @!p1 s21, $0x12  }
0x2f: {  	s18 =	sadd.s32 @!p1 s18, s19;
	s19 =	sor.u32 @!p1 $0x80, s20;
	s20 =	simm.s32 @!p1 $0x8000  }
0x30: {  	[tilespmem:s17], [sflag:$0x1] =	stream.strided.gather @!p1 [hbm4b:s18+s19], $0x4000, s20, s19, $0x38;
	[tilespmem:$0x10100] =	vst v63  }
0x31: {  	p1 =	sge.u32 s31, s7  }
.Ltmp2:
0x32: {  	_ = 	snop;
	(pc) =	sbr.rel @p1 .LBB1_5-.Ltmp2, $1  }
0x33: {  	_ =	sdelay $0x3  }
0x34: {  	s17 =	simm.s32 $0x1  }
0x35: {  	_ =	swait.ge [sflag:s6], $0x4000;
	s17 =	simm.s32 @!p0 $0x0  }
0x36: {  	[sflag:s6] =	ssyncset.done $0x0;
	s18 =	sshll.u32 s17, $0xE  }
0x37: {  	[sflag:s6] =	ssyncadd.s32 $0xFFFFC000;
	s20 =	sor.u32 $0x40, s18  }
0x38: {  	s17 =	smul.u32 $0x10200, s17;
	v0 =	vld [tilespmem:s20+$0x30]  }
0x39: {  	v3 =	vld [tilespmem:s20+$0xFFFFFFD0]  }
0x3a: {  	s17 =	sshrl.u32 s17, $0x2;
	v4 =	vld [tilespmem:s20+$0xFFFFFFE0]  }
0x3b: {  	v5 =	vld [tilespmem:s20+$0xFFFFFFF0];
	s18 =	sor.u32 $0x8000, s17  }
0x3c: {  	s31 =	sand.u32 $0x1, s13;
	v1 =	vld [tilespmem:s20+$0x0];
	s19 =	sadd.s32 $0x0, s18  }
0x3d: {  	v2 =	vld [tilespmem:s20+$0x10];
	s17 =	smul.u32 $0x10200, s31;
	[tilespmem:s19+$0x3870 ss:$0x81] =	vst.msk $0xffff, v0  }
0x3e: {  	[tilespmem:s19+$0x810 ss:$0x81] =	vst.msk $0xffff, v3;
	v3 =	vld [tilespmem:s20+$0x20]  }
0x3f: {  	s17 =	sshrl.u32 s17, $0x2;
	v0 =	vld [tilespmem:s20+$0xFFFFFFC0];
	[tilespmem:s19+$0x1020 ss:$0x81] =	vst.msk $0xffff, v4;
	s20 =	sadd.s32 $0x80, s20  }
0x40: {  	s21 =	simm.s32 $0x4;
	s22 =	simm.s32 $0x8;
	s17 =	sor.u32 $0x8000, s17;
	[tilespmem:s19+$0x1830 ss:$0x81] =	vst.msk $0xffff, v5;
	v4 =	vld [tilespmem:s20+$0x30]  }
.LBB1_3:
0x41: {  	p1 =	sne.s32 s22, $0x1FC;
	v5 =	vld [tilespmem:s20+$0xFFFFFFD0];
	[tilespmem:s19+$0x2040 ss:$0x81] =	vst.msk $0xffff, v1  }
0x42: {  	v6 =	vld [tilespmem:s20+$0xFFFFFFE0];
	[tilespmem:s19+$0x2850 ss:$0x81] =	vst.msk $0xffff, v2  }
0x43: {  	s23 =	sshra.s32 s21, $0x2;
	s21 =	smov.u32 s22;
	v7 =	vld [tilespmem:s20+$0xFFFFFFF0];
	[tilespmem:s19+$0x3060 ss:$0x81] =	vst.msk $0xffff, v3  }
.Ltmp3:
0x44: {  	v1 =	vld [tilespmem:s20+$0x0];
	[tilespmem:s19+$0x0 ss:$0x81] =	vst.msk $0xffff, v0;
	s19 =	sadd.s32 s23, s18;
	(pc) =	sbr.rel @p1 .LBB1_3-.Ltmp3, $4  }
0x45: {  	v2 =	vld [tilespmem:s20+$0x10];
	[tilespmem:s19+$0x3870 ss:$0x81] =	vst.msk $0xffff, v4  }
0x46: {  	[tilespmem:s19+$0x810 ss:$0x81] =	vst.msk $0xffff, v5;
	v3 =	vld [tilespmem:s20+$0x20]  }
0x47: {  	v0 =	vld [tilespmem:s20+$0xFFFFFFC0];
	[tilespmem:s19+$0x1020 ss:$0x81] =	vst.msk $0xffff, v6;
	s20 =	sadd.s32 $0x80, s20  }
0x48: {  	s22 =	sadd.s32 $0x4, s22;
	v4 =	vld [tilespmem:s20+$0x30];
	[tilespmem:s19+$0x1830 ss:$0x81] =	vst.msk $0xffff, v7  }
.Ltmp4:
0x49: {  	_ = 	snop;
	(pc) =	sbr.rel .LBB1_4-.Ltmp4, $1  }
0x4a: {  	_ =	sdelay $0x3  }
.LBB1_6:
0x4b: {  	_ =	sfence.sel $0x180000  }
0x4c: {  	s2 =	simm.s32 $0x1;
	[bflag:$0x0] =	sbarrier.arrive $0xFFFF  }
0x4d: {  	s31 =	simm.s32 $0x2;
	[sflag:s2] =	ssyncpa.u1 $0x1  }
0x4e: {  	[sflag:s31] =	ssyncpa.u1 $0x1  }
0x4f: {  	p0 =	sne.s32 s0, $0x0;
	_ =	strace $0x90000047  }
0x50: {  	s0 =	sadd.s32 @!p0 $0x100000, s1;
	[bflag:$0x2] =	sbarrier.arrive $0xFFFF  }
0x51: {  	[sflag:s0] =	ssyncadd.tile.s32 @!p0 $0x1;
	_ =	shalt  }
.Lfunc_end1:
_tile_overlayer_lowered:
.L_overlay_start_2:
0x52: {  	(tag) =	ssettag $0x2  }
0x53: {  	s0 =	rddreg [dreg:$0x0];
	s2 =	stileid.u32  }
0x54: {  	s1 =	rddreg [dreg:$0x1];
	p0 =	sne.s32 s2, $0x0  }
0x55: {  	s3 =	rddreg [dreg:$0x2];
	[bflag:$0x3] =	sbarrier.arrive $0xFFFF;
	s2 =	simm.s32 @!p0 $0x1C01  }
0x56: {  	[timem:s3], [sflag:s2] =	dma.local @!p0 [hbm:s0], s1  }
0x57: {  	s0 =	simm.s32 @!p0 $0x1  }
0x58: {  	_ =	swait.ge @!p0 [sflag:s0], s1  }
0x59: {  	s1 =	ssub.s32 @!p0 $0x0, s1;
	[sflag:s0] =	ssyncset.done @!p0 $0x0  }
0x5a: {  	[sflag:s0] =	ssyncadd.s32 @!p0 s1  }
0x5b: {  	[bflag:$0x3] =	sbarrier.arrive $0xFFFF  }
0x5c: {  	_ =	shalt  }

</sc_bundles>
